<compile_context>
chip_gen: v7x
topology: tpu7x:2x2x1
jax: 0.10.2.dev20260603
libtpu: 0.0.44.dev20260713+nightly
codegen_flags: <defaults>
</compile_context>

<pallas_src>
import functools

import jax
import jax.numpy as jnp
from jax.experimental import pallas as pl
from jax.experimental.pallas import tpu as pltpu
from jax.experimental.pallas import tpu_sc as plsc

B = 16384
F = 26
V = 1000
D = 64
H = 128

NC = 2
NS = 16
NW = NC * NS

ROWS_PER_WIN = 4
GW = ROWS_PER_WIN * F
BLK = 1024


def _project_tables(tables, W1):

    def body(t_ref, w_ref, o_ref):
        tb = t_ref[0].astype(jnp.bfloat16)
        o_ref[...] = jnp.dot(tb, w_ref[0], preferred_element_type=jnp.float32)

    return pl.pallas_call(
        body,
        grid=(F,),
        in_specs=[
            pl.BlockSpec((1, V, D), lambda f: (f, 0, 0)),
            pl.BlockSpec((1, D, H), lambda f: (f, 0, 0)),
        ],
        out_specs=pl.BlockSpec((V, H), lambda f: (f, 0)),
        out_shape=jax.ShapeDtypeStruct((F * V, H), jnp.float32),
    )(tables, W1)


def _gather_sum(proj, flat_idx, pat, zero):
    n = flat_idx.shape[0]
    per_w = n // NW
    rows_w = per_w // F
    nwin = per_w // GW
    mesh = plsc.VectorSubcoreMesh(core_axis_name="core", subcore_axis_name="subcore")

    @functools.partial(
        pl.kernel,
        out_type=jax.ShapeDtypeStruct((B, H), jnp.float32),
        mesh=mesh,
        scratch_types=[
            pltpu.VMEM((per_w,), jnp.int32),
            pltpu.VMEM((nwin, GW), jnp.int32),
            pltpu.VMEM((GW, H), jnp.float32),
            pltpu.VMEM((GW, H), jnp.float32),
            pltpu.VMEM_SHARED((NS * rows_w, H), jnp.float32),
            pltpu.SemaphoreType.DMA,
            pltpu.SemaphoreType.DMA,
        ],
    )
    def gather_kernel(proj_hbm, idx_hbm, pat_hbm, z_hbm, out_hbm,
                      idx_v, pat_v, buf0, buf1, acc, sem0, sem1):
        bufs = (buf0, buf1)
        sems = (sem0, sem1)
        sid = jax.lax.axis_index("subcore")
        wid = sid * NC + jax.lax.axis_index("core")
        base = wid * per_w
        pltpu.sync_copy(idx_hbm.at[pl.ds(base, per_w)], idx_v)
        pltpu.sync_copy(pat_hbm.at[sid], pat_v)
        pltpu.sync_copy(z_hbm, acc.at[pl.ds(sid * rows_w, rows_w)])

        def gather_start(win, buf, sem):
            pltpu.async_copy(proj_hbm.at[idx_v.at[pl.ds(win * GW, GW)]], buf, sem)

        def drain_add(win, buf, sem):
            pltpu.make_async_copy(
                proj_hbm.at[idx_v.at[pl.ds(win * GW, GW)]], buf, sem
            ).wait()
            pltpu.sync_copy(buf, acc.at[pat_v.at[win]], add=True)

        gather_start(0, buf0, sem0)

        @pl.loop(0, nwin, step=2)
        def _(wn):
            @pl.when(wn + 1 < nwin)
            def _():
                gather_start(wn + 1, bufs[1], sems[1])

            drain_add(wn, bufs[0], sems[0])

            @pl.when(wn + 2 < nwin)
            def _():
                gather_start(wn + 2, bufs[0], sems[0])

            @pl.when(wn + 1 < nwin)
            def _():
                drain_add(wn + 1, bufs[1], sems[1])

        pltpu.sync_copy(
            acc.at[pl.ds(sid * rows_w, rows_w)],
            out_hbm.at[pl.ds(wid * rows_w, rows_w)],
        )

    return gather_kernel(proj, flat_idx, pat, zero)


def _finish(h, b1, w2, b2):

    def body(h_ref, b1_ref, w2_ref, b2_ref, o_ref):
        a = jnp.maximum(h_ref[...] + b1_ref[...], 0.0).astype(jnp.bfloat16)
        o = jnp.dot(a, w2_ref[...], preferred_element_type=jnp.float32)
        o_ref[...] = o + b2_ref[...]

    return pl.pallas_call(
        body,
        grid=(B // BLK,),
        in_specs=[
            pl.BlockSpec((BLK, H), lambda i: (i, 0)),
            pl.BlockSpec((1, H), lambda i: (0, 0)),
            pl.BlockSpec((H, D), lambda i: (0, 0)),
            pl.BlockSpec((1, D), lambda i: (0, 0)),
        ],
        out_specs=pl.BlockSpec((BLK, D), lambda i: (i, 0)),
        out_shape=jax.ShapeDtypeStruct((B, D), jnp.float32),
    )(h, b1.reshape(1, H), w2, b2.reshape(1, D))


def kernel(idx, tables, W1, b1, W2, b2):
    idx = idx.astype(jnp.int32)
    flat_idx = (idx + (jnp.arange(F, dtype=jnp.int32) * V)[None, :]).reshape(B * F)
    w1 = W1.astype(jnp.bfloat16).reshape(F, D, H)
    proj = _project_tables(tables, w1)
    rows_w = B // NW
    nwin = rows_w // ROWS_PER_WIN
    pat = (
        (jnp.arange(NS, dtype=jnp.int32) * rows_w)[:, None, None]
        + (jnp.arange(nwin, dtype=jnp.int32) * ROWS_PER_WIN)[None, :, None]
        + (jnp.arange(GW, dtype=jnp.int32) // F)[None, None, :]
    )
    zero = jnp.zeros((rows_w, H), jnp.float32)
    h = _gather_sum(proj, flat_idx, pat, zero)
    return _finish(h, b1, W2.astype(jnp.bfloat16), b2)

# --- scband reference (transcript-rebuilt; emitter-appended) ---
"""Pipeline reference for scband-conditioning-module-51032801411722 (READ-ONLY COPY).

The authoritative reference and input builder live on the scoring server;
editing this copy changes nothing except your own understanding.
"""

import jax, jax.numpy as jnp
import numpy as np

B = 16384
F = 26
V = 1000
D = 64
H = 128


def setup_inputs(seed: int = 0) -> dict:
    key = jax.random.key(seed)
    ks = jax.random.split(key, 5)
    # indices for all 26 categorical fields, stacked: [B, F]
    idx = jax.random.randint(ks[0], (B, F), 0, V, dtype=jnp.int64) if jax.config.jax_enable_x64 else jax.random.randint(ks[0], (B, F), 0, V, dtype=jnp.int32)
    # stacked embedding tables, one per field: [F, V, D]
    tables = jax.random.normal(ks[1], (F, V, D), dtype=jnp.float32)
    W1 = jax.random.normal(ks[2], (F * D, H), dtype=jnp.float32) * (1.0 / np.sqrt(F * D))
    b1 = jnp.zeros((H,), dtype=jnp.float32)
    W2 = jax.random.normal(ks[3], (H, D), dtype=jnp.float32) * (1.0 / np.sqrt(H))
    b2 = jnp.zeros((D,), dtype=jnp.float32)
    return {"idx": idx, "tables": tables, "W1": W1, "b1": b1, "W2": W2, "b2": b2}


def reference(idx, tables, W1, b1, W2, b2):
    # per-field embedding lookup, equivalent to ModuleDict of nn.Embedding
    field_ids = jnp.arange(F)[None, :]          # [1, F]
    emb = tables[field_ids, idx]                # [B, F, D] gather
    conditioning_matrix = emb.reshape(idx.shape[0], F * D)  # concat along dim=1
    h = jnp.maximum(conditioning_matrix @ W1 + b1, 0.0)     # Linear + ReLU
    conditioning_vector = h @ W2 + b2                        # Linear
    return conditioning_vector

if __name__ == "__main__":
    import jax
    _d = setup_inputs()
    print(jax.jit(kernel)(*tuple(_d.values())))

</pallas_src>

<mosaic_0001>
#map = affine_map<(d0, d1) -> (0, 0)>
#map1 = affine_map<(d0, d1) -> (0)>
#map2 = affine_map<(d0, d1) -> (0, 0, 0)>
module attributes {stable_mosaic.version = 14 : i64} {
  func.func @gather_kernel(%arg0: i32, %arg1: i32, %arg2: memref<26000x128xf32, #tpu.memory_space<hbm>>, %arg3: memref<425984xi32, #tpu.memory_space<hbm>>, %arg4: memref<16x128x104xi32, #tpu.memory_space<hbm>>, %arg5: memref<512x128xf32, #tpu.memory_space<hbm>>, %arg6: memref<16384x128xf32, #tpu.memory_space<hbm>>, %arg7: memref<13312xi32, #tpu.memory_space<vmem>>, %arg8: memref<128x104xi32, #tpu.memory_space<vmem>>, %arg9: memref<104x128xf32, #tpu.memory_space<vmem>>, %arg10: memref<104x128xf32, #tpu.memory_space<vmem>>, %arg11: memref<8192x128xf32, #tpu.memory_space<vmem_shared>>, %arg12: memref<!tpu.dma_semaphore, #tpu.memory_space<semaphore_mem>>, %arg13: memref<!tpu.dma_semaphore, #tpu.memory_space<semaphore_mem>>) attributes {dimension_semantics = [#tpu.dimension_semantics<core_parallel>, #tpu.dimension_semantics<subcore_parallel>], iteration_bounds = array<i64: 2, 16>, scalar_prefetch = 0 : i64, scratch_operands = 7 : i64, tpu.core_type = #tpu.core_type<sc_vector_subcore>, window_params = [{transform_indices = #map}, {transform_indices = #map1}, {transform_indices = #map2}, {transform_indices = #map}, {transform_indices = #map}]} {
    %mul3A = arith.constant 2 : i32
    %mul3A_0 = arith.muli %arg1, %mul3A : i32
    %add3A = arith.addi %mul3A_0, %arg0 : i32
    %mul3A_1 = arith.constant 13312 : i32
    %mul3A_2 = arith.muli %add3A, %mul3A_1 : i32
    "tpu.region"() ({
      %run_scoped3A = tpu.sem_alloc : memref<!tpu.dma_semaphore, #tpu.memory_space<semaphore_mem>>
      %dma_start3A_17 = tpu.memref_slice %arg3[%mul3A_2] : memref<425984xi32, #tpu.memory_space<hbm>> -> memref<13312xi32, #tpu.memory_space<hbm>>
      %dma_start3A_18 = tpu.memref_slice %arg3[%mul3A_2] : memref<425984xi32, #tpu.memory_space<hbm>> -> memref<13312xi32, #tpu.memory_space<hbm>>
      tpu.enqueue_dma source(%dma_start3A_18 : memref<13312xi32, #tpu.memory_space<hbm>>) target(%arg7 : memref<13312xi32, #tpu.memory_space<vmem>>) target_semaphore(%run_scoped3A : memref<!tpu.dma_semaphore, #tpu.memory_space<semaphore_mem>>)
      %dma_wait3A = tpu.memref_slice %arg3[%mul3A_2] : memref<425984xi32, #tpu.memory_space<hbm>> -> memref<13312xi32, #tpu.memory_space<hbm>>
      %dma_wait3A_19 = tpu.memref_slice %arg3[%mul3A_2] : memref<425984xi32, #tpu.memory_space<hbm>> -> memref<13312xi32, #tpu.memory_space<hbm>>
      tpu.wait_dma2 semaphore(%run_scoped3A : memref<!tpu.dma_semaphore, #tpu.memory_space<semaphore_mem>>) src(%dma_wait3A_19 : memref<13312xi32, #tpu.memory_space<hbm>>) dst(%arg7 : memref<13312xi32, #tpu.memory_space<vmem>>)
      tpu.yield
    }) : () -> ()
    "tpu.region"() ({
      %run_scoped3A = tpu.sem_alloc : memref<!tpu.dma_semaphore, #tpu.memory_space<semaphore_mem>>
      %dma_start3A_17 = arith.constant 0 : i32
      %dma_start3A_18 = arith.constant 0 : i32
      %dma_start3A_19 = tpu.memref_slice %arg4[%arg1, %dma_start3A_17, %dma_start3A_18] : memref<16x128x104xi32, #tpu.memory_space<hbm>> -> memref<1x128x104xi32, #tpu.memory_space<hbm>>
      %dma_start3A_20 = tpu.memref_squeeze %dma_start3A_19 : memref<1x128x104xi32, #tpu.memory_space<hbm>> -> memref<128x104xi32, #tpu.memory_space<hbm>>
      %dma_start3A_21 = arith.constant 0 : i32
      %dma_start3A_22 = arith.constant 0 : i32
      %dma_start3A_23 = tpu.memref_slice %arg4[%arg1, %dma_start3A_21, %dma_start3A_22] : memref<16x128x104xi32, #tpu.memory_space<hbm>> -> memref<1x128x104xi32, #tpu.memory_space<hbm>>
      %dma_start3A_24 = tpu.memref_squeeze %dma_start3A_23 : memref<1x128x104xi32, #tpu.memory_space<hbm>> -> memref<128x104xi32, #tpu.memory_space<hbm>>
      tpu.enqueue_dma source(%dma_start3A_24 : memref<128x104xi32, #tpu.memory_space<hbm>>) target(%arg8 : memref<128x104xi32, #tpu.memory_space<vmem>>) target_semaphore(%run_scoped3A : memref<!tpu.dma_semaphore, #tpu.memory_space<semaphore_mem>>)
      %dma_wait3A = arith.constant 0 : i32
      %dma_wait3A_25 = arith.constant 0 : i32
      %dma_wait3A_26 = tpu.memref_slice %arg4[%arg1, %dma_wait3A, %dma_wait3A_25] : memref<16x128x104xi32, #tpu.memory_space<hbm>> -> memref<1x128x104xi32, #tpu.memory_space<hbm>>
      %dma_wait3A_27 = tpu.memref_squeeze %dma_wait3A_26 : memref<1x128x104xi32, #tpu.memory_space<hbm>> -> memref<128x104xi32, #tpu.memory_space<hbm>>
      %dma_wait3A_28 = arith.constant 0 : i32
      %dma_wait3A_29 = arith.constant 0 : i32
      %dma_wait3A_30 = tpu.memref_slice %arg4[%arg1, %dma_wait3A_28, %dma_wait3A_29] : memref<16x128x104xi32, #tpu.memory_space<hbm>> -> memref<1x128x104xi32, #tpu.memory_space<hbm>>
      %dma_wait3A_31 = tpu.memref_squeeze %dma_wait3A_30 : memref<1x128x104xi32, #tpu.memory_space<hbm>> -> memref<128x104xi32, #tpu.memory_space<hbm>>
      tpu.wait_dma2 semaphore(%run_scoped3A : memref<!tpu.dma_semaphore, #tpu.memory_space<semaphore_mem>>) src(%dma_wait3A_31 : memref<128x104xi32, #tpu.memory_space<hbm>>) dst(%arg8 : memref<128x104xi32, #tpu.memory_space<vmem>>)
      tpu.yield
    }) : () -> ()
    %mul3A_3 = arith.constant 512 : i32
    %mul3A_4 = arith.muli %arg1, %mul3A_3 : i32
    "tpu.region"() ({
      %run_scoped3A = tpu.sem_alloc : memref<!tpu.dma_semaphore, #tpu.memory_space<semaphore_mem>>
      %dma_start3A_17 = arith.constant 0 : i32
      %dma_start3A_18 = tpu.memref_slice %arg11[%mul3A_4, %dma_start3A_17] : memref<8192x128xf32, #tpu.memory_space<vmem_shared>> -> memref<512x128xf32, #tpu.memory_space<vmem_shared>>
      tpu.enqueue_dma source(%arg5 : memref<512x128xf32, #tpu.memory_space<hbm>>) target(%dma_start3A_18 : memref<512x128xf32, #tpu.memory_space<vmem_shared>>) target_semaphore(%run_scoped3A : memref<!tpu.dma_semaphore, #tpu.memory_space<semaphore_mem>>)
      %dma_wait3A = arith.constant 0 : i32
      %dma_wait3A_19 = tpu.memref_slice %arg11[%mul3A_4, %dma_wait3A] : memref<8192x128xf32, #tpu.memory_space<vmem_shared>> -> memref<512x128xf32, #tpu.memory_space<vmem_shared>>
      tpu.wait_dma2 semaphore(%run_scoped3A : memref<!tpu.dma_semaphore, #tpu.memory_space<semaphore_mem>>) src(%arg5 : memref<512x128xf32, #tpu.memory_space<hbm>>) dst(%dma_wait3A_19 : memref<512x128xf32, #tpu.memory_space<vmem_shared>>)
      tpu.yield
    }) : () -> ()
    %dma_start3A = arith.constant 0 : i32
    %dma_start3A_5 = tpu.memref_slice %arg7[%dma_start3A] : memref<13312xi32, #tpu.memory_space<vmem>> -> memref<104xi32, #tpu.memory_space<vmem>>
    %dma_start3A_6 = arith.constant 0 : i32
    %dma_start3A_7 = arith.constant 0 : i32
    %dma_start3A_8 = tpu.memref_slice %arg2[%dma_start3A_6, %dma_start3A_7] : memref<26000x128xf32, #tpu.memory_space<hbm>> -> memref<26000x128xf32, #tpu.memory_space<hbm>>
    tpu.enqueue_indirect_dma source(%dma_start3A_8 : memref<26000x128xf32, #tpu.memory_space<hbm>>) target(%arg9 : memref<104x128xf32, #tpu.memory_space<vmem>>) offsets(%dma_start3A_5 : memref<104xi32, #tpu.memory_space<vmem>>) semaphore(%arg12 : memref<!tpu.dma_semaphore, #tpu.memory_space<semaphore_mem>>)
    %scan3A = arith.constant 0 : i32
    %scan3A_9 = arith.constant 64 : i32
    %scan3A_10 = arith.addi %scan3A, %scan3A_9 : i32
    %scan3A_11 = arith.constant 1 : i32
    scf.for %scan3A_17 = %scan3A to %scan3A_10 step %scan3A_11  : i32 {
      %mul3A_18 = arith.constant 2 : i32
      %mul3A_19 = arith.muli %scan3A_17, %mul3A_18 : i32
      %add3A_20 = arith.constant 0 : i32
      %add3A_21 = arith.addi %add3A_20, %mul3A_19 : i32
      %add3A_22 = arith.constant 1 : i32
      %add3A_23 = arith.addi %add3A_21, %add3A_22 : i32
      %lt3A = arith.constant 128 : i32
      %lt3A_24 = arith.cmpi slt, %add3A_23, %lt3A : i32
      %convert_element_type3A = arith.extui %lt3A_24 : i1 to i32
      %cond3A = arith.constant 0 : i32
      %cond3A_25 = arith.cmpi ne, %convert_element_type3A, %cond3A : i32
      scf.if %cond3A_25 {
        %add3A_45 = arith.constant 1 : i32
        %add3A_46 = arith.addi %add3A_21, %add3A_45 : i32
        %mul3A_47 = arith.constant 104 : i32
        %mul3A_48 = arith.muli %add3A_46, %mul3A_47 : i32
        %dma_start3A_49 = tpu.memref_slice %arg7[%mul3A_48] : memref<13312xi32, #tpu.memory_space<vmem>> -> memref<104xi32, #tpu.memory_space<vmem>>
        %dma_start3A_50 = arith.constant 0 : i32
        %dma_start3A_51 = arith.constant 0 : i32
        %dma_start3A_52 = tpu.memref_slice %arg2[%dma_start3A_50, %dma_start3A_51] : memref<26000x128xf32, #tpu.memory_space<hbm>> -> memref<26000x128xf32, #tpu.memory_space<hbm>>
        tpu.enqueue_indirect_dma source(%dma_start3A_52 : memref<26000x128xf32, #tpu.memory_space<hbm>>) target(%arg10 : memref<104x128xf32, #tpu.memory_space<vmem>>) offsets(%dma_start3A_49 : memref<104xi32, #tpu.memory_space<vmem>>) semaphore(%arg13 : memref<!tpu.dma_semaphore, #tpu.memory_space<semaphore_mem>>)
      } else {
      }
      %mul3A_26 = arith.constant 104 : i32
      %mul3A_27 = arith.muli %add3A_21, %mul3A_26 : i32
      %dma_wait3A = tpu.memref_slice %arg7[%mul3A_27] : memref<13312xi32, #tpu.memory_space<vmem>> -> memref<104xi32, #tpu.memory_space<vmem>>
      %dma_wait3A_28 = arith.constant 0 : i32
      %dma_wait3A_29 = arith.constant 0 : i32
      %dma_wait3A_30 = tpu.memref_slice %arg2[%dma_wait3A_28, %dma_wait3A_29] : memref<26000x128xf32, #tpu.memory_space<hbm>> -> memref<26000x128xf32, #tpu.memory_space<hbm>>
      tpu.wait_indirect_dma semaphore(%arg12 : memref<!tpu.dma_semaphore, #tpu.memory_space<semaphore_mem>>) src(%dma_wait3A_30 : memref<26000x128xf32, #tpu.memory_space<hbm>>) dst(%arg9 : memref<104x128xf32, #tpu.memory_space<vmem>>)
      "tpu.region"() ({
        %run_scoped3A = tpu.sem_alloc : memref<!tpu.dma_semaphore, #tpu.memory_space<semaphore_mem>>
        %dma_start3A_45 = arith.constant 0 : i32
        %dma_start3A_46 = tpu.memref_slice %arg8[%add3A_21, %dma_start3A_45] : memref<128x104xi32, #tpu.memory_space<vmem>> -> memref<1x104xi32, #tpu.memory_space<vmem>>
        %dma_start3A_47 = tpu.memref_squeeze %dma_start3A_46 : memref<1x104xi32, #tpu.memory_space<vmem>> -> memref<104xi32, #tpu.memory_space<vmem>>
        %dma_start3A_48 = arith.constant 0 : i32
        %dma_start3A_49 = arith.constant 0 : i32
        %dma_start3A_50 = tpu.memref_slice %arg11[%dma_start3A_48, %dma_start3A_49] : memref<8192x128xf32, #tpu.memory_space<vmem_shared>> -> memref<8192x128xf32, #tpu.memory_space<vmem_shared>>
        tpu.enqueue_indirect_dma source(%arg9 : memref<104x128xf32, #tpu.memory_space<vmem>>) target(%dma_start3A_50 : memref<8192x128xf32, #tpu.memory_space<vmem_shared>>) offsets(%dma_start3A_47 : memref<104xi32, #tpu.memory_space<vmem>>) semaphore(%run_scoped3A : memref<!tpu.dma_semaphore, #tpu.memory_space<semaphore_mem>>) {add = true}
        %dma_wait3A_51 = arith.constant 0 : i32
        %dma_wait3A_52 = tpu.memref_slice %arg8[%add3A_21, %dma_wait3A_51] : memref<128x104xi32, #tpu.memory_space<vmem>> -> memref<1x104xi32, #tpu.memory_space<vmem>>
        %dma_wait3A_53 = tpu.memref_squeeze %dma_wait3A_52 : memref<1x104xi32, #tpu.memory_space<vmem>> -> memref<104xi32, #tpu.memory_space<vmem>>
        %dma_wait3A_54 = arith.constant 0 : i32
        %dma_wait3A_55 = arith.constant 0 : i32
        %dma_wait3A_56 = tpu.memref_slice %arg11[%dma_wait3A_54, %dma_wait3A_55] : memref<8192x128xf32, #tpu.memory_space<vmem_shared>> -> memref<8192x128xf32, #tpu.memory_space<vmem_shared>>
        tpu.wait_indirect_dma semaphore(%run_scoped3A : memref<!tpu.dma_semaphore, #tpu.memory_space<semaphore_mem>>) src(%arg9 : memref<104x128xf32, #tpu.memory_space<vmem>>) dst(%dma_wait3A_56 : memref<8192x128xf32, #tpu.memory_space<vmem_shared>>)
        tpu.yield
      }) : () -> ()
      %add3A_31 = arith.constant 2 : i32
      %add3A_32 = arith.addi %add3A_21, %add3A_31 : i32
      %lt3A_33 = arith.constant 128 : i32
      %lt3A_34 = arith.cmpi slt, %add3A_32, %lt3A_33 : i32
      %convert_element_type3A_35 = arith.extui %lt3A_34 : i1 to i32
      %cond3A_36 = arith.constant 0 : i32
      %cond3A_37 = arith.cmpi ne, %convert_element_type3A_35, %cond3A_36 : i32
      scf.if %cond3A_37 {
        %add3A_45 = arith.constant 2 : i32
        %add3A_46 = arith.addi %add3A_21, %add3A_45 : i32
        %mul3A_47 = arith.constant 104 : i32
        %mul3A_48 = arith.muli %add3A_46, %mul3A_47 : i32
        %dma_start3A_49 = tpu.memref_slice %arg7[%mul3A_48] : memref<13312xi32, #tpu.memory_space<vmem>> -> memref<104xi32, #tpu.memory_space<vmem>>
        %dma_start3A_50 = arith.constant 0 : i32
        %dma_start3A_51 = arith.constant 0 : i32
        %dma_start3A_52 = tpu.memref_slice %arg2[%dma_start3A_50, %dma_start3A_51] : memref<26000x128xf32, #tpu.memory_space<hbm>> -> memref<26000x128xf32, #tpu.memory_space<hbm>>
        tpu.enqueue_indirect_dma source(%dma_start3A_52 : memref<26000x128xf32, #tpu.memory_space<hbm>>) target(%arg9 : memref<104x128xf32, #tpu.memory_space<vmem>>) offsets(%dma_start3A_49 : memref<104xi32, #tpu.memory_space<vmem>>) semaphore(%arg12 : memref<!tpu.dma_semaphore, #tpu.memory_space<semaphore_mem>>)
      } else {
      }
      %add3A_38 = arith.constant 1 : i32
      %add3A_39 = arith.addi %add3A_21, %add3A_38 : i32
      %lt3A_40 = arith.constant 128 : i32
      %lt3A_41 = arith.cmpi slt, %add3A_39, %lt3A_40 : i32
      %convert_element_type3A_42 = arith.extui %lt3A_41 : i1 to i32
      %cond3A_43 = arith.constant 0 : i32
      %cond3A_44 = arith.cmpi ne, %convert_element_type3A_42, %cond3A_43 : i32
      scf.if %cond3A_44 {
        %add3A_45 = arith.constant 1 : i32
        %add3A_46 = arith.addi %add3A_21, %add3A_45 : i32
        %mul3A_47 = arith.constant 104 : i32
        %mul3A_48 = arith.muli %add3A_46, %mul3A_47 : i32
        %dma_wait3A_49 = tpu.memref_slice %arg7[%mul3A_48] : memref<13312xi32, #tpu.memory_space<vmem>> -> memref<104xi32, #tpu.memory_space<vmem>>
        %dma_wait3A_50 = arith.constant 0 : i32
        %dma_wait3A_51 = arith.constant 0 : i32
        %dma_wait3A_52 = tpu.memref_slice %arg2[%dma_wait3A_50, %dma_wait3A_51] : memref<26000x128xf32, #tpu.memory_space<hbm>> -> memref<26000x128xf32, #tpu.memory_space<hbm>>
        tpu.wait_indirect_dma semaphore(%arg13 : memref<!tpu.dma_semaphore, #tpu.memory_space<semaphore_mem>>) src(%dma_wait3A_52 : memref<26000x128xf32, #tpu.memory_space<hbm>>) dst(%arg10 : memref<104x128xf32, #tpu.memory_space<vmem>>)
        "tpu.region"() ({
          %run_scoped3A = tpu.sem_alloc : memref<!tpu.dma_semaphore, #tpu.memory_space<semaphore_mem>>
          %dma_start3A_53 = arith.constant 0 : i32
          %dma_start3A_54 = tpu.memref_slice %arg8[%add3A_46, %dma_start3A_53] : memref<128x104xi32, #tpu.memory_space<vmem>> -> memref<1x104xi32, #tpu.memory_space<vmem>>
          %dma_start3A_55 = tpu.memref_squeeze %dma_start3A_54 : memref<1x104xi32, #tpu.memory_space<vmem>> -> memref<104xi32, #tpu.memory_space<vmem>>
          %dma_start3A_56 = arith.constant 0 : i32
          %dma_start3A_57 = arith.constant 0 : i32
          %dma_start3A_58 = tpu.memref_slice %arg11[%dma_start3A_56, %dma_start3A_57] : memref<8192x128xf32, #tpu.memory_space<vmem_shared>> -> memref<8192x128xf32, #tpu.memory_space<vmem_shared>>
          tpu.enqueue_indirect_dma source(%arg10 : memref<104x128xf32, #tpu.memory_space<vmem>>) target(%dma_start3A_58 : memref<8192x128xf32, #tpu.memory_space<vmem_shared>>) offsets(%dma_start3A_55 : memref<104xi32, #tpu.memory_space<vmem>>) semaphore(%run_scoped3A : memref<!tpu.dma_semaphore, #tpu.memory_space<semaphore_mem>>) {add = true}
          %dma_wait3A_59 = arith.constant 0 : i32
          %dma_wait3A_60 = tpu.memref_slice %arg8[%add3A_46, %dma_wait3A_59] : memref<128x104xi32, #tpu.memory_space<vmem>> -> memref<1x104xi32, #tpu.memory_space<vmem>>
          %dma_wait3A_61 = tpu.memref_squeeze %dma_wait3A_60 : memref<1x104xi32, #tpu.memory_space<vmem>> -> memref<104xi32, #tpu.memory_space<vmem>>
          %dma_wait3A_62 = arith.constant 0 : i32
          %dma_wait3A_63 = arith.constant 0 : i32
          %dma_wait3A_64 = tpu.memref_slice %arg11[%dma_wait3A_62, %dma_wait3A_63] : memref<8192x128xf32, #tpu.memory_space<vmem_shared>> -> memref<8192x128xf32, #tpu.memory_space<vmem_shared>>
          tpu.wait_indirect_dma semaphore(%run_scoped3A : memref<!tpu.dma_semaphore, #tpu.memory_space<semaphore_mem>>) src(%arg10 : memref<104x128xf32, #tpu.memory_space<vmem>>) dst(%dma_wait3A_64 : memref<8192x128xf32, #tpu.memory_space<vmem_shared>>)
          tpu.yield
        }) : () -> ()
      } else {
      }
    }
    %scan3A_12 = arith.constant 64 : i32
    %mul3A_13 = arith.constant 512 : i32
    %mul3A_14 = arith.muli %arg1, %mul3A_13 : i32
    %mul3A_15 = arith.constant 512 : i32
    %mul3A_16 = arith.muli %add3A, %mul3A_15 : i32
    "tpu.region"() ({
      %run_scoped3A = tpu.sem_alloc : memref<!tpu.dma_semaphore, #tpu.memory_space<semaphore_mem>>
      %dma_start3A_17 = arith.constant 0 : i32
      %dma_start3A_18 = tpu.memref_slice %arg6[%mul3A_16, %dma_start3A_17] : memref<16384x128xf32, #tpu.memory_space<hbm>> -> memref<512x128xf32, #tpu.memory_space<hbm>>
      %dma_start3A_19 = arith.constant 0 : i32
      %dma_start3A_20 = tpu.memref_slice %arg11[%mul3A_14, %dma_start3A_19] : memref<8192x128xf32, #tpu.memory_space<vmem_shared>> -> memref<512x128xf32, #tpu.memory_space<vmem_shared>>
      tpu.enqueue_dma source(%dma_start3A_20 : memref<512x128xf32, #tpu.memory_space<vmem_shared>>) target(%dma_start3A_18 : memref<512x128xf32, #tpu.memory_space<hbm>>) target_semaphore(%run_scoped3A : memref<!tpu.dma_semaphore, #tpu.memory_space<semaphore_mem>>)
      %dma_wait3A = arith.constant 0 : i32
      %dma_wait3A_21 = tpu.memref_slice %arg6[%mul3A_16, %dma_wait3A] : memref<16384x128xf32, #tpu.memory_space<hbm>> -> memref<512x128xf32, #tpu.memory_space<hbm>>
      %dma_wait3A_22 = arith.constant 0 : i32
      %dma_wait3A_23 = tpu.memref_slice %arg11[%mul3A_14, %dma_wait3A_22] : memref<8192x128xf32, #tpu.memory_space<vmem_shared>> -> memref<512x128xf32, #tpu.memory_space<vmem_shared>>
      tpu.wait_dma2 semaphore(%run_scoped3A : memref<!tpu.dma_semaphore, #tpu.memory_space<semaphore_mem>>) src(%dma_wait3A_23 : memref<512x128xf32, #tpu.memory_space<vmem_shared>>) dst(%dma_wait3A_21 : memref<512x128xf32, #tpu.memory_space<hbm>>)
      tpu.yield
    }) : () -> ()
    return
  }
}

module attributes {stable_mosaic.version = 14 : i64} {
  func.func @body(%arg0: i32, %arg1: memref<1x1000x64xf32, #tpu.memory_space<vmem>>, %arg2: memref<1x64x128xbf16, #tpu.memory_space<vmem>>, %arg3: memref<1000x128xf32, #tpu.memory_space<vmem>>) attributes {dimension_semantics = [#tpu.dimension_semantics<arbitrary>], iteration_bounds = array<i64: 26>, scalar_prefetch = 0 : i64, scratch_operands = 0 : i64, tpu.core_type = #tpu.core_type<tc>, window_params = [{transform_indices = @transform_0, window_bounds = array<i64: 1, 1000, 64>}, {transform_indices = @transform_1, window_bounds = array<i64: 1, 64, 128>}, {transform_indices = @transform_2, window_bounds = array<i64: 1000, 128>}]} {
    %get3A = arith.constant 0 : index
    %get3A_0 = arith.constant 0 : index
    %get3A_1 = arith.constant 0 : index
    %get3A_2 = vector.load %arg1[%get3A, %get3A_0, %get3A_1] : memref<1x1000x64xf32, #tpu.memory_space<vmem>>, vector<1x1000x64xf32>
    %get3A_3 = vector.shape_cast %get3A_2 : vector<1x1000x64xf32> to vector<1000x64xf32>
    %convert_element_type3A = arith.truncf %get3A_3 : vector<1000x64xf32> to vector<1000x64xbf16>
    %get3A_4 = arith.constant 0 : index
    %get3A_5 = arith.constant 0 : index
    %get3A_6 = arith.constant 0 : index
    %get3A_7 = vector.load %arg2[%get3A_4, %get3A_5, %get3A_6] : memref<1x64x128xbf16, #tpu.memory_space<vmem>>, vector<1x64x128xbf16>
    %get3A_8 = vector.shape_cast %get3A_7 : vector<1x64x128xbf16> to vector<64x128xbf16>
    %dot_general3A = arith.constant dense<0.000000e+00> : vector<1000x128xf32>
    %dot_general3A_9 = tpu.matmul %convert_element_type3A, %get3A_8, %dot_general3A {dimension_numbers = #tpu.dot_dimension_numbers<[1], [0], [0], [1], [0, 0, 1, 1], [], []>, transpose_lhs_hint = false} : vector<1000x64xbf16>, vector<64x128xbf16>, vector<1000x128xf32> -> vector<1000x128xf32>
    %swap3A = arith.constant 0 : index
    %swap3A_10 = arith.constant 0 : index
    %swap3A_11 = vector.load %arg3[%swap3A, %swap3A_10] : memref<1000x128xf32, #tpu.memory_space<vmem>>, vector<1000x128xf32>
    tpu.vector_store %arg3[%swap3A, %swap3A_10], %dot_general3A_9 {strides = array<i32>} : memref<1000x128xf32, #tpu.memory_space<vmem>>, vector<1000x128xf32>,
    return
  }
  func.func @transform_0(%arg0: i32) -> (i32, i32, i32) {
    %c0_i32 = arith.constant 0 : i32
    %c0_i32_0 = arith.constant 0 : i32
    %c0_i32_1 = arith.constant 0 : i32
    return %arg0, %c0_i32, %c0_i32_0 : i32, i32, i32
  }
  func.func @transform_1(%arg0: i32) -> (i32, i32, i32) {
    %c0_i32 = arith.constant 0 : i32
    %c0_i32_0 = arith.constant 0 : i32
    %c0_i32_1 = arith.constant 0 : i32
    return %arg0, %c0_i32, %c0_i32_0 : i32, i32, i32
  }
  func.func @transform_2(%arg0: i32) -> (i32, i32) {
    %c0_i32 = arith.constant 0 : i32
    %c0_i32_0 = arith.constant 0 : i32
    return %arg0, %c0_i32 : i32, i32
  }
}

module attributes {stable_mosaic.version = 14 : i64} {
  func.func @body(%arg0: i32, %arg1: memref<1024x128xf32, #tpu.memory_space<vmem>>, %arg2: memref<1x128xf32, #tpu.memory_space<vmem>>, %arg3: memref<128x64xbf16, #tpu.memory_space<vmem>>, %arg4: memref<1x64xf32, #tpu.memory_space<vmem>>, %arg5: memref<1024x64xf32, #tpu.memory_space<vmem>>) attributes {dimension_semantics = [#tpu.dimension_semantics<arbitrary>], iteration_bounds = array<i64: 16>, scalar_prefetch = 0 : i64, scratch_operands = 0 : i64, tpu.core_type = #tpu.core_type<tc>, window_params = [{transform_indices = @transform_0, window_bounds = array<i64: 1024, 128>}, {pipeline_mode = #tpu.pipeline_mode<synchronous>, transform_indices = @transform_1, window_bounds = array<i64: 1, 128>}, {pipeline_mode = #tpu.pipeline_mode<synchronous>, transform_indices = @transform_2, window_bounds = array<i64: 128, 64>}, {pipeline_mode = #tpu.pipeline_mode<synchronous>, transform_indices = @transform_3, window_bounds = array<i64: 1, 64>}, {transform_indices = @transform_4, window_bounds = array<i64: 1024, 64>}]} {
    %get3A = arith.constant 0 : index
    %get3A_0 = arith.constant 0 : index
    %get3A_1 = vector.load %arg1[%get3A, %get3A_0] : memref<1024x128xf32, #tpu.memory_space<vmem>>, vector<1024x128xf32>
    %get3A_2 = arith.constant 0 : index
    %get3A_3 = arith.constant 0 : index
    %get3A_4 = vector.load %arg2[%get3A_2, %get3A_3] : memref<1x128xf32, #tpu.memory_space<vmem>>, vector<1x128xf32>
    %add3A = vector.broadcast %get3A_4 : vector<1x128xf32> to vector<1024x128xf32>
    %add3A_5 = arith.addf %get3A_1, %add3A : vector<1024x128xf32>
    %max3A = arith.constant 0.000000e+00 : f32
    %max3A_6 = vector.broadcast %max3A : f32 to vector<1024x128xf32>
    %max3A_7 = arith.maximumf %add3A_5, %max3A_6 : vector<1024x128xf32>
    %convert_element_type3A = arith.truncf %max3A_7 : vector<1024x128xf32> to vector<1024x128xbf16>
    %get3A_8 = arith.constant 0 : index
    %get3A_9 = arith.constant 0 : index
    %get3A_10 = vector.load %arg3[%get3A_8, %get3A_9] : memref<128x64xbf16, #tpu.memory_space<vmem>>, vector<128x64xbf16>
    %dot_general3A = arith.constant dense<0.000000e+00> : vector<1024x64xf32>
    %dot_general3A_11 = tpu.matmul %convert_element_type3A, %get3A_10, %dot_general3A {dimension_numbers = #tpu.dot_dimension_numbers<[1], [0], [0], [1], [0, 0, 1, 1], [], []>, transpose_lhs_hint = false} : vector<1024x128xbf16>, vector<128x64xbf16>, vector<1024x64xf32> -> vector<1024x64xf32>
    %get3A_12 = arith.constant 0 : index
    %get3A_13 = arith.constant 0 : index
    %get3A_14 = vector.load %arg4[%get3A_12, %get3A_13] : memref<1x64xf32, #tpu.memory_space<vmem>>, vector<1x64xf32>
    %add3A_15 = vector.broadcast %get3A_14 : vector<1x64xf32> to vector<1024x64xf32>
    %add3A_16 = arith.addf %dot_general3A_11, %add3A_15 : vector<1024x64xf32>
    %swap3A = arith.constant 0 : index
    %swap3A_17 = arith.constant 0 : index
    %swap3A_18 = vector.load %arg5[%swap3A, %swap3A_17] : memref<1024x64xf32, #tpu.memory_space<vmem>>, vector<1024x64xf32>
    tpu.vector_store %arg5[%swap3A, %swap3A_17], %add3A_16 {strides = array<i32>} : memref<1024x64xf32, #tpu.memory_space<vmem>>, vector<1024x64xf32>,
    return
  }
  func.func @transform_0(%arg0: i32) -> (i32, i32) {
    %c0_i32 = arith.constant 0 : i32
    %c0_i32_0 = arith.constant 0 : i32
    return %arg0, %c0_i32 : i32, i32
  }
  func.func @transform_1(%arg0: i32) -> (i32, i32) {
    %c0_i32 = arith.constant 0 : i32
    %c0_i32_0 = arith.constant 0 : i32
    %c0_i32_1 = arith.constant 0 : i32
    return %c0_i32, %c0_i32_0 : i32, i32
  }
  func.func @transform_2(%arg0: i32) -> (i32, i32) {
    %c0_i32 = arith.constant 0 : i32
    %c0_i32_0 = arith.constant 0 : i32
    %c0_i32_1 = arith.constant 0 : i32
    return %c0_i32, %c0_i32_0 : i32, i32
  }
  func.func @transform_3(%arg0: i32) -> (i32, i32) {
    %c0_i32 = arith.constant 0 : i32
    %c0_i32_0 = arith.constant 0 : i32
    %c0_i32_1 = arith.constant 0 : i32
    return %c0_i32, %c0_i32_0 : i32, i32
  }
  func.func @transform_4(%arg0: i32) -> (i32, i32) {
    %c0_i32 = arith.constant 0 : i32
    %c0_i32_0 = arith.constant 0 : i32
    return %arg0, %c0_i32 : i32, i32
  }
}

</mosaic_0001>

<sc_bundles>
// kernel: kernel.5.cloned.1.call-start
scs
__scs_entry_jumppad:
0x0: {  	(pc) =	sbr.rel $0x88, $3  }
0x1: {  	(tag) =	ssettag $0x0;
	lr =	simm.s32 $0x1  }
0x2: {  	[smem:$0x3F9B] =	sst lr;
	_ =	strace $0xD0000000  }
0x3: {  	_ = 	snop  }
0x4: {  	_ = 	snop  }
0x5: {  	_ = 	snop  }
0x6: {  	_ = 	snop  }
0x7: {  	_ = 	snop  }
__scs_overlays_trampoline_lowered:
0x8: {  	[smem:$0x3FAA] =	sst s0  }
0x9: {  	[smem:$0x3FAB] =	sst s1  }
0xa: {  	[smem:$0x3FAC] =	sst s2  }
0xb: {  	[smem:$0x3FAD] =	sst s3  }
0xc: {  	[smem:$0x3FAE] =	sst s4  }
0xd: {  	[smem:$0x3FAF] =	sst s5  }
0xe: {  	[smem:$0x3FB0] =	sst s6  }
0xf: {  	[smem:$0x3FB1] =	sst s7  }
0x10: {  	[smem:$0x3FB2] =	sst s8  }
0x11: {  	[smem:$0x3FB3] =	sst s9;
	s0 =	simm.s32 @!p0 $0x0  }
0x12: {  	s1 =	sld [smem:$0x3F99];
	s0 =	simm.s32 @p0 $0x1  }
0x13: {  	[smem:$0x3FB4] =	sst s0;
	s0 =	simm.s32 @!p1 $0x0  }
0x14: {  	s2 =	sld [smem:$0x3F98];
	s0 =	simm.s32 @p1 $0x1  }
0x15: {  	[smem:$0x3FB5] =	sst s0;
	s0 =	simm.s32 @!p2 $0x0  }
0x16: {  	s3 =	sld [smem:$0x3FDB];
	s0 =	simm.s32 @p2 $0x1  }
0x17: {  	s4 =	simm.s32 $0x1BF5;
	[smem:$0x3FB7] =	sst s0  }
0x18: {  	s0 =	sld [smem:$0x3F9A];
	_ =	swait.ge [sflag:s4], $0x0  }
0x19: {  	s7 =	sld [smem:$0x3F9B]  }
0x1a: {  	s8 =	sadd.s32 $0xFFFFE003, lr  }
0x1b: {  	s9 =	sadd.s32 $0xFFFFFEF7, lr;
	s5 =	simm.s32 $0xFFFFFFFF;
	p2 =	slt.u32 s8, $0xFFFFF086  }
0x1c: {  	p1 =	slt.u32 s9, $0xF7A;
	s5 =	simm.s32 @!p2 $0x0  }
0x1d: {  	s5 =	simm.s32 @p1 $0x1;
	p0 =	seq.s32 s7, s2  }
0x1e: {  	s7 =	smul.u32 @!p0 $0xF7A, s2;
	p2 =	seq.s32 @!p0 s5, $0x0  }
0x1f: {  	s9 =	smul.u32 $0xF7A, s1;
	s8 =	simm.s32 @!p0 $0x1BF5;
	p2 =	por !p2, p0  }
0x20: {  	[sflag:s8] =	ssyncset.s32 @!p0 $0xFFFFF086;
	s6 =	sadd.s32 @!p0 s3, s7;
	s7 =	simm.s32 @!p0 $0x108  }
0x21: {  	s3 =	sadd.s32 s3, s9;
	s6 =	sadd.s32 @!p0 $0x88, s6;
	s7 =	simm.s32 @p2 $0x1082  }
0x22: {  	[simem:s7], [sflag:s8] =	dma.local @!p0 [hbm:s6], $0xF7A  }
0x23: {  	s9 =	sor.u32 $0xD0000000, s2;
	s6 =	simm.s32 $0x108;
	_ =	swait.ge @!p0 [sflag:s8], $0x0  }
0x24: {  	s3 =	sadd.s32 $0x88, s3;
	s6 =	simm.s32 @!p1 $0x1082;
	[sflag:s4] =	ssyncset.s32 $0xFFFFF086  }
0x25: {  	[simem:s6], [sflag:s4] =	dma.local [hbm:s3], $0xF7A  }
0x26: {  	[smem:$0x3F9B] =	sst s1;
	(tag) =	ssettag s2;
	_ =	strace s9  }
0x27: {  	s1 =	sld [smem:$0x3FAB]  }
0x28: {  	s2 =	sld [smem:$0x3FAC]  }
0x29: {  	s4 =	sld [smem:$0x3FAE]  }
0x2a: {  	p0 =	seq.s32 s5, $0x0;
	s5 =	sld [smem:$0x3FAF]  }
0x2b: {  	s6 =	sld [smem:$0x3FB0]  }
0x2c: {  	s7 =	sld [smem:$0x3FB1]  }
0x2d: {  	s3 =	simm.s32 $0x108;
	s8 =	sld [smem:$0x3FB2]  }
0x2e: {  	s3 =	simm.s32 @!p0 $0x1082;
	s9 =	sld [smem:$0x3FB3]  }
0x2f: {  	lr =	sadd.s32 s0, s3;
	s0 =	sld [smem:$0x3FAA]  }
0x30: {  	s3 =	sld [smem:$0x3FAD]  }
0x31: {  	[smem:$0x3FB6] =	sst s10  }
0x32: {  	s10 =	sld [smem:$0x3FB4];
	_ =	sdelay $0x3  }
0x33: {  	p0 =	seq.s32 s10, $0x1;
	s10 =	sld [smem:$0x3FB6];
	_ =	sdelay $0x3  }
0x34: {  	[smem:$0x3FB6] =	sst s10  }
0x35: {  	s10 =	sld [smem:$0x3FB5];
	_ =	sdelay $0x3  }
0x36: {  	p1 =	seq.s32 s10, $0x1;
	s10 =	sld [smem:$0x3FB6];
	_ =	sdelay $0x3  }
0x37: {  	[smem:$0x3FB6] =	sst s10  }
0x38: {  	s10 =	sld [smem:$0x3FB7]  }
0x39: {  	_ = 	snop;
	(pc) =	sbr.ind lr, $3  }
0x3a: {  	_ = 	snop  }
0x3b: {  	_ = 	snop  }
0x3c: {  	p2 =	seq.s32 s10, $0x1;
	s10 =	sld [smem:$0x3FB6]  }
0x3d: {  	_ =	shalt  }
0x3e: {  	_ =	shalt  }
0x3f: {  	_ =	shalt  }
0x40: {  	_ =	shalt  }
0x41: {  	_ =	shalt  }
0x42: {  	_ =	shalt  }
0x43: {  	_ =	shalt  }
0x44: {  	_ =	shalt  }
0x45: {  	_ =	shalt  }
0x46: {  	_ =	shalt  }
0x47: {  	_ =	shalt  }
0x48: {  	_ =	shalt  }
0x49: {  	_ =	shalt  }
0x4a: {  	_ =	shalt  }
0x4b: {  	_ =	shalt  }
0x4c: {  	_ =	shalt  }
0x4d: {  	_ =	shalt  }
0x4e: {  	_ =	shalt  }
0x4f: {  	_ =	shalt  }
0x50: {  	_ =	shalt  }
0x51: {  	_ =	shalt  }
0x52: {  	_ =	shalt  }
0x53: {  	_ =	shalt  }
0x54: {  	_ =	shalt  }
0x55: {  	_ =	shalt  }
0x56: {  	_ =	shalt  }
0x57: {  	_ =	shalt  }
0x58: {  	_ =	shalt  }
0x59: {  	_ =	shalt  }
0x5a: {  	_ =	shalt  }
0x5b: {  	_ =	shalt  }
0x5c: {  	_ =	shalt  }
0x5d: {  	_ =	shalt  }
0x5e: {  	_ =	shalt  }
0x5f: {  	_ =	shalt  }
0x60: {  	_ =	shalt  }
0x61: {  	_ =	shalt  }
0x62: {  	_ =	shalt  }
0x63: {  	_ =	shalt  }
0x64: {  	_ =	shalt  }
0x65: {  	_ =	shalt  }
0x66: {  	_ =	shalt  }
0x67: {  	_ =	shalt  }
0x68: {  	_ =	shalt  }
0x69: {  	_ =	shalt  }
0x6a: {  	_ =	shalt  }
0x6b: {  	_ =	shalt  }
0x6c: {  	_ =	shalt  }
0x6d: {  	_ =	shalt  }
0x6e: {  	_ =	shalt  }
0x6f: {  	_ =	shalt  }
0x70: {  	_ =	shalt  }
0x71: {  	_ =	shalt  }
0x72: {  	_ =	shalt  }
0x73: {  	_ =	shalt  }
0x74: {  	_ =	shalt  }
0x75: {  	_ =	shalt  }
0x76: {  	_ =	shalt  }
0x77: {  	_ =	shalt  }
0x78: {  	_ =	shalt  }
0x79: {  	_ =	shalt  }
0x7a: {  	_ =	shalt  }
0x7b: {  	_ =	shalt  }
0x7c: {  	_ =	shalt  }
0x7d: {  	_ =	shalt  }
0x7e: {  	_ =	shalt  }
0x7f: {  	_ =	shalt  }
0x80: {  	_ =	shalt  }
0x81: {  	_ =	shalt  }
0x82: {  	_ =	shalt  }
0x83: {  	_ =	shalt  }
0x84: {  	_ =	shalt  }
0x85: {  	_ =	shalt  }
0x86: {  	_ =	shalt  }
0x87: {  	_ =	shalt  }
.Lfunc_end0:
.L_simem_size_0:
called_computation_lowered:
.L_overlay_start_0:
0x88: {  	s2 =	sld [smem:$0x3FD9]  }
0x89: {  	s3 =	sld [smem:$0x3FFE];
	_ =	sdelay $0x1  }
0x8a: {  	s1 =	srdreg.scid  }
0x8b: {  	s0 =	sand.u32 $0x1, s1  }
0x8c: {  	s17 =	sshll.u32 s0, $0xA;
	s2 =	sadd.s32 s3, s2  }
0x8d: {  	s2 =	sadd.s32 s2, s17  }
0x8e: {  	[smem:$0x3FC2] =	sst s2  }
0x8f: {  	_ = 	snop  }
0x90: {  	s2 =	sld [smem:$0x3FD0];
	(tm) =	ssettm $0x1  }
0x91: {  	s18 =	sld [smem:$0x3FFB];
	_ =	sdelay $0x3  }
0x92: {  	_ =	strace s18  }
0x93: {  	s3 =	sld [smem:$0x3FFC];
	_ =	sdelay $0x3  }
0x94: {  	_ =	strace s3  }
0x95: {  	s3 =	sld [smem:$0x3FFD];
	_ =	sdelay $0x3  }
0x96: {  	_ =	strace s3  }
0x97: {  	_ =	strace $0x8FFFFFFF  }
0x98: {  	s19 =	sld [smem:$0x3FDB];
	_ =	sdelay $0x1  }
0x99: {  	s4 =	simm.s32 $_scs_section_size  }
0x9a: {  	s5 =	simm.s32 $_size__tile_overlayer_lowered;
	s6 =	simm.s32 $_tile_overlayer_lowered  }
0x9b: {  	s22 =	simm.s32 $0x1BFF;
	s21 =	sshll.u32 s6, $0x1;
	s3 =	sadd.s32 s4, s19  }
0x9c: {  	s7 =	simm.s32 $0x0;
	s20 =	sshll.u32 s5, $0x1;
	s5 =	sadd.s32 s21, s3  }
0x9d: {  	[timem:s7], [sflag:s22] =	dma.local [hbm:s5], s20  }
0x9e: {  	_ =	swait.ge [sflag:s22], s20  }
0x9f: {  	s4 =	ssub.s32 $0x0, s20;
	[sflag:s22] =	ssyncset.done $0x0  }
0xa0: {  	[sflag:s22] =	ssyncadd.s32 s4;
	_ =	sdelay $0x1  }
0xa1: {  	s23 =	simm.s32 $0x1B8B  }
0xa2: {  	_ =	swait.ge [sflag:s23], $0x1  }
0xa3: {  	[sflag:s23] =	ssyncset.done $0x0  }
0xa4: {  	s25 =	simm.s32 $0x1B8E;
	s24 =	sld [smem:$0x3FFE];
	[sflag:s23] =	ssyncadd.s32 $0xFFFFFFFF  }
0xa5: {  	s26 =	simm.s32 $execute0_lowered;
	[smem:$0x3FD2] =	sst s25  }
0xa6: {  	s5 =	sshll.u32 s26, $0x1;
	_ =	strace $0x80000046;
	[dreg:$0x1] =	wrdreg $0xFFFFFFFF  }
0xa7: {  	s28 =	simm.s32 $_size_execute0_lowered;
	s3 =	sadd.s32 s3, s5;
	[dreg:$0x0] =	wrdreg $0x0  }
0xa8: {  	s5 =	sshll.u32 s28, $0x1;
	[dreg:$0x2] =	wrdreg s3  }
0xa9: {  	[dreg:$0x3] =	wrdreg s5  }
0xaa: {  	[dreg:$0x4] =	wrdreg $0xC0  }
0xab: {  	_ =	task [dreg:s7], $0x5FFFF  }
0xac: {  	[dreg:$0x1] =	wrdreg $0xFFFFFFFF  }
0xad: {  	[dreg:$0x0] =	wrdreg $0x60  }
0xae: {  	[dreg:$0x2] =	wrdreg s24  }
0xaf: {  	[dreg:$0x3] =	wrdreg s2  }
0xb0: {  	[dreg:$0x4] =	wrdreg $0xDC000  }
0xb1: {  	[dreg:$0x5] =	wrdreg $0x9  }
0xb2: {  	_ =	task.clear_ibuf [dreg:s7], $0x6FFFF;
	_ =	strace $0x90000046  }
0xb3: {  	s29 =	simm.s32 $0x9;
	_ =	strace $0x80000048  }
0xb4: {  	_ =	swait.ge [sflag:s29], $0x1  }
0xb5: {  	[sflag:s29] =	ssyncadd.s32 $0xFFFFFFFF  }
0xb6: {  	_ =	strace $0x90000048  }
0xb7: {  	_ =	sfence  }
0xb8: {  	s30 =	sld [smem:$0x0];
	_ =	sdelay $0x2  }
0xb9: {  	s31 =	sshll.u32 s1, $0xD;
	s1 =	sshrl.u32 s1, $0x2  }
0xba: {  	s3 =	sand.u32 $0x4000, s31;
	s1 =	sadd.s32 s1, s30  }
0xbb: {  	s0 =	sor.u32 s3, s0;
	s1 =	sshll.u32 s1, $0x11  }
0xbc: {  	s0 =	sor.u32 s1, s0  }
0xbd: {  	s0 =	sadd.s32 $0x8F2B, s0  }
0xbe: {  	[sflag:s0] =	ssyncadd.remote.s32 $0x1  }
0xbf: {  	_ =	sfence.sel $0xFFFF  }
0xc0: {  	[dreg:$0x0] =	wrdreg $0xFFFFFFFF;
	(pc) =	sbr.abs _section_cstart, $3  }
0xc1: {  	[dreg:$0x1] =	wrdreg $0xFFFFFFFF  }
0xc2: {  	_ =	task.clear_ibuf [dreg:s7], $0x2FFFF;
	_ =	strace $0x9FFFFFFF  }
0xc3: {  	(tm) =	ssettm $0x7FFFFFFF  }
tec
execute0_lowered:
.L_overlay_start_1:
0x0: {  	(tag) =	ssettag $0x1  }
0x1: {  	s6 =	rddreg [dreg:$0x0]  }
0x2: {  	s7 =	rddreg [dreg:$0x1]  }
0x3: {  	s1 =	rddreg [dreg:$0x2]  }
0x4: {  	s0 =	rddreg [dreg:$0x3]  }
0x5: {  	s3 =	simm.s32 $0x0;
	s2 =	stileid.u32;
	s5 =	srdreg.scid  }
0x6: {  	s14 =	simm.s32 $0x7400;
	s15 =	simm.s32 $0x68;
	s16 =	simm.s32 $0xA800  }
0x7: {  	s17 =	simm.s32 $0x1;
	s18 =	simm.s32 $0x4;
	s19 =	simm.s32 $0x2  }
0x8: {  	s20 =	simm.s32 $0x3398;
	s21 =	simm.s32 $0x7300;
	s22 =	simm.s32 $0x7380  }
0x9: {  	s23 =	simm.s32 $0x0;
	[smem:$0x7FF] =	sst s3;
	s4 =	sadd.s32 $0x1200, s6  }
0xa: {  	s8 =	sshll.u32 s2, $0xB;
	s5 =	sand.u32 $0x1, s5;
	s9 =	sshll.u32 s2, $0x1  }
0xb: {  	s30 =	sshll.u32 s2, $0x10;
	s31 =	sshll.u32 s2, $0x6;
	_ =	strace $0x80000047  }
0xc: {  	s8 =	sadd.s32 s8, s6;
	s9 =	sor.u32 s5, s9;
	s10 =	ssub.s32 $0x2, s5  }
0xd: {  	s5 =	sadd.s32 $0x6EC00, s6;
	s13 =	sadd.s32 s30, s1;
	s11 =	sshll.u32 s9, $0xD  }
0xe: {  	s12 =	sshrl.u32 s10, $0x1;
	s9 =	smul.u32 $0x680, s9;
	s13 =	sshrl.u32 s13, $0x3  }
0xf: {  	s11 =	sadd.s32 s11, s6;
	s10 =	ssub.s32 s10, s12;
	s12 =	sor.u32 $0x1C03, s31  }
0x10: {  	s6 =	sadd.s32 s7, s9;
	s7 =	sadd.s32 $0x66C00, s8;
	s8 =	sadd.s32 $0x70C00, s11  }
0x11: {  	s9 =	smax.u32 s10, $0x1;
	s10 =	simm.s32 $0x3;
	s11 =	simm.s32 $0x3400  }
.LBB2_1:
0x12: {  	[tilespmem:s3], [sflag:$0x3] =	stream.linear.gather [hbm4b:s6+s3], $0x3400, $0x38;
	[tilespmem:$0x1DC00] =	vst v63  }
0x13: {  	_ =	swait.ge [sflag:s10], $0x3400  }
0x14: {  	[sflag:s10] =	ssyncset.done $0x0  }
0x15: {  	[sflag:s10] =	ssyncadd.s32 $0xFFFFCC00  }
0x16: {  	[tilespmem:s11], [sflag:$0x3] =	stream.linear.gather [hbm4b:s7+s3], $0x4000, $0x38;
	[tilespmem:$0x1DC00] =	vst v63  }
0x17: {  	_ =	swait.ge [sflag:s10], $0x4000  }
0x18: {  	[sflag:s10] =	ssyncset.done $0x0  }
0x19: {  	[sflag:s10] =	ssyncadd.s32 $0xFFFFC000  }
0x1a: {  	[spmem:s13], [sflag:s12] =	dma.local [hbm:s5], $0x2000  }
0x1b: {  	_ =	swait.ge [sflag:s10], $0x2000  }
0x1c: {  	[sflag:s10] =	ssyncset.done $0x0  }
0x1d: {  	[sflag:s10] =	ssyncadd.s32 $0xFFFFE000  }
0x1e: {  	[tilespmem:s14], [sflag:$0x1] =	stream.indirect.gather [hbm4b:s4+s15], $0x80, s3, s15, $0xb8;
	[tilespmem:$0x1DC00] =	vst v63  }
0x1f: {  	_ = 	snop  }
0x20: {  	[tilespmem:s16], [sflag:$0x2] =	stream.indirect.gather [hbm4b:s4+s15], $0x80, s15, s15, $0xb8;
	[tilespmem:$0x1DC00] =	vst v63  }
0x21: {  	_ =	swait.ge [sflag:s17], $0x3400  }
0x22: {  	[sflag:s17] =	ssyncset.done $0x0  }
0x23: {  	s24 =	simm.s32 $0x3400;
	[sflag:s17] =	ssyncadd.s32 $0xFFFFCC00  }
0x24: {  	[spmem:s1] =	stream.indirect.scatter.add.f32 [tilespmem:s14], [sflag:$0x4], $0x80, s24, s15, $0xb8;
	[tilespmem:$0x1DC00] =	vst v63  }
0x25: {  	_ =	swait.ge [sflag:s18], $0x3400  }
0x26: {  	[sflag:s18] =	ssyncset.done $0x0  }
0x27: {  	s30 =	simm.s32 $0xD0;
	[sflag:s18] =	ssyncadd.s32 $0xFFFFCC00  }
0x28: {  	[tilespmem:s14], [sflag:$0x1] =	stream.indirect.gather [hbm4b:s4+s15], $0x80, s30, s15, $0xb8;
	[tilespmem:$0x1DC00] =	vst v63  }
0x29: {  	_ =	swait.ge [sflag:s19], $0x3400  }
0x2a: {  	[sflag:s19] =	ssyncset.done $0x0  }
0x2b: {  	s31 =	simm.s32 $0x3480;
	[sflag:s19] =	ssyncadd.s32 $0xFFFFCC00  }
0x2c: {  	[spmem:s1] =	stream.indirect.scatter.add.f32 [tilespmem:s16], [sflag:$0x3], $0x80, s31, s15, $0xb8;
	[tilespmem:$0x1DC00] =	vst v63  }
0x2d: {  	_ =	swait.ge [sflag:s10], $0x3400  }
0x2e: {  	s25 =	simm.s32 $0x68;
	s24 =	simm.s32 $0x400;
	[sflag:s10] =	ssyncset.done $0x0  }
.LBB2_2:
0x2f: {  	p0 =	sne.s32 s24, $0xF800;
	[sflag:s10] =	ssyncadd.s32 $0xFFFFCC00;
	s25 =	sadd.s32 $0xD0, s25  }
0x30: {  	[tilespmem:s16], [sflag:$0x2] =	stream.indirect.gather [hbm4b:s4+s15], $0x80, s25, s15, $0xb8;
	[tilespmem:$0x1DC00] =	vst v63  }
0x31: {  	s26 =	smov.u32 s24;
	s24 =	sadd.s32 $0x400, s24;
	_ =	swait.ge [sflag:s17], $0x3400  }
0x32: {  	s26 =	sshra.s32 s26, $0x2;
	[sflag:s17] =	ssyncset.done $0x0  }
0x33: {  	s28 =	sadd.s32 $0x3400, s26;
	[sflag:s17] =	ssyncadd.s32 $0xFFFFCC00  }
0x34: {  	[spmem:s1] =	stream.indirect.scatter.add.f32 [tilespmem:s14], [sflag:$0x4], $0x80, s28, s15, $0xb8;
	[tilespmem:$0x1DC00] =	vst v63  }
0x35: {  	_ =	swait.ge [sflag:s18], $0x3400  }
0x36: {  	[sflag:s18] =	ssyncset.done $0x0  }
0x37: {  	s28 =	sadd.s32 $0x68, s25;
	[sflag:s18] =	ssyncadd.s32 $0xFFFFCC00  }
0x38: {  	[tilespmem:s14], [sflag:$0x1] =	stream.indirect.gather [hbm4b:s4+s15], $0x80, s28, s15, $0xb8;
	[tilespmem:$0x1DC00] =	vst v63  }
0x39: {  	_ =	swait.ge [sflag:s19], $0x3400  }
.Ltmp0:
0x3a: {  	[sflag:s19] =	ssyncset.done $0x0;
	(pc) =	sbr.rel @p0 .LBB2_2-.Ltmp0, $4  }
0x3b: {  	s26 =	sadd.s32 $0x3480, s26;
	[sflag:s19] =	ssyncadd.s32 $0xFFFFCC00  }
0x3c: {  	[spmem:s1] =	stream.indirect.scatter.add.f32 [tilespmem:s16], [sflag:$0x3], $0x80, s26, s15, $0xb8;
	[tilespmem:$0x1DC00] =	vst v63  }
0x3d: {  	_ =	swait.ge [sflag:s10], $0x3400  }
0x3e: {  	[sflag:s10] =	ssyncset.done $0x0  }
0x3f: {  	[sflag:s10] =	ssyncadd.s32 $0xFFFFCC00  }
0x40: {  	[tilespmem:s16], [sflag:$0x2] =	stream.indirect.gather [hbm4b:s4+s15], $0x80, s20, s15, $0xb8;
	[tilespmem:$0x1DC00] =	vst v63  }
0x41: {  	_ =	swait.ge [sflag:s17], $0x3400  }
0x42: {  	[sflag:s17] =	ssyncset.done $0x0  }
0x43: {  	[sflag:s17] =	ssyncadd.s32 $0xFFFFCC00  }
0x44: {  	[spmem:s1] =	stream.indirect.scatter.add.f32 [tilespmem:s14], [sflag:$0x4], $0x80, s21, s15, $0xb8;
	[tilespmem:$0x1DC00] =	vst v63  }
0x45: {  	_ =	swait.ge [sflag:s18], $0x3400  }
0x46: {  	[sflag:s18] =	ssyncset.done $0x0  }
0x47: {  	[sflag:s18] =	ssyncadd.s32 $0xFFFFCC00  }
0x48: {  	_ =	swait.ge [sflag:s19], $0x3400  }
0x49: {  	[sflag:s19] =	ssyncset.done $0x0  }
0x4a: {  	[sflag:s19] =	ssyncadd.s32 $0xFFFFCC00  }
0x4b: {  	[spmem:s1] =	stream.indirect.scatter.add.f32 [tilespmem:s16], [sflag:$0x3], $0x80, s22, s15, $0xb8;
	[tilespmem:$0x1DC00] =	vst v63  }
0x4c: {  	s23 =	sadd.s32 $0x1, s23;
	_ =	swait.ge [sflag:s10], $0x3400  }
0x4d: {  	p0 =	sne.s32 s23, s9;
	[sflag:s10] =	ssyncset.done $0x0  }
.Ltmp1:
0x4e: {  	[sflag:s10] =	ssyncadd.s32 $0xFFFFCC00;
	(pc) =	sbr.rel @p0 .LBB2_1-.Ltmp1, $4  }
0x4f: {  	[hbm:s8], [sflag:s12] =	dma.local [spmem:s13], $0x2000  }
0x50: {  	_ =	swait.ge [sflag:s10], $0x2000  }
0x51: {  	[sflag:s10] =	ssyncset.done $0x0  }
0x52: {  	[sflag:s10] =	ssyncadd.s32 $0xFFFFE000  }
0x53: {  	_ =	sfence.sel $0x180000  }
0x54: {  	[bflag:$0x0] =	sbarrier.arrive $0xFFFF  }
0x55: {  	p0 =	sne.s32 s2, $0x0;
	_ =	strace $0x90000047  }
0x56: {  	s0 =	sadd.s32 @!p0 $0x100000, s0;
	[bflag:$0x2] =	sbarrier.arrive $0xFFFF  }
0x57: {  	[sflag:s0] =	ssyncadd.tile.s32 @!p0 $0x1;
	_ =	shalt  }
.Lfunc_end2:
_tile_overlayer_lowered:
.L_overlay_start_2:
0x58: {  	(tag) =	ssettag $0x2  }
0x59: {  	s0 =	rddreg [dreg:$0x0];
	s2 =	stileid.u32  }
0x5a: {  	s1 =	rddreg [dreg:$0x1];
	p0 =	sne.s32 s2, $0x0  }
0x5b: {  	s3 =	rddreg [dreg:$0x2];
	[bflag:$0x3] =	sbarrier.arrive $0xFFFF;
	s2 =	simm.s32 @!p0 $0x1C03  }
0x5c: {  	[timem:s3], [sflag:s2] =	dma.local @!p0 [hbm:s0], s1  }
0x5d: {  	s0 =	simm.s32 @!p0 $0x3  }
0x5e: {  	_ =	swait.ge @!p0 [sflag:s0], s1  }
0x5f: {  	s1 =	ssub.s32 @!p0 $0x0, s1;
	[sflag:s0] =	ssyncset.done @!p0 $0x0  }
0x60: {  	[sflag:s0] =	ssyncadd.s32 @!p0 s1  }
0x61: {  	[bflag:$0x3] =	sbarrier.arrive $0xFFFF  }
0x62: {  	_ =	shalt  }

</sc_bundles>
